<compile_context>
chip_gen: v7x
topology: tpu7x:2x2x1
jax: 0.10.2.dev20260603
libtpu: 0.0.44.dev20260713+nightly
codegen_flags: <defaults>
</compile_context>

<pallas_src>
import functools

import jax
import jax.numpy as jnp
from jax import lax
from jax.experimental import pallas as pl
from jax.experimental.pallas import tpu as pltpu
from jax.experimental.pallas import tpu_sc as plsc

_EPS = 1e-8
_KIN_COEF = 0.1
_TOPK = 4
_TILE = 4096


def _score_topk_body(K, nt, q_ref, k_ref, ml_ref, L_ref, outs_ref, outi_ref,
                     qn_ref, t0, t1, t2, t3, i0, i1, i2, i3):
    B = q_ref.shape[0]
    D = q_ref.shape[1]
    t = pl.program_id(0)

    @pl.when(t == 0)
    def _init():
        q = q_ref[...]
        qn_ref[...] = q * (1.0 / (jnp.sqrt(jnp.sum(q * q, axis=1, keepdims=True)) + _EPS))
        neg = jnp.full((B, 1), -jnp.inf, jnp.float32)
        z = jnp.zeros((B, 1), jnp.int32)
        for ref in (t0, t1, t2, t3):
            ref[...] = neg
        for ref in (i0, i1, i2, i3):
            ref[...] = z

    keys = k_ref[...]
    norm2 = jnp.sum(keys * keys, axis=1, keepdims=True)
    kn = keys * (1.0 / (jnp.sqrt(norm2) + _EPS))
    s = lax.dot_general(qn_ref[...], kn, (((1,), (1,)), ((), ())),
                        preferred_element_type=jnp.float32)

    ml = ml_ref[...]
    L = L_ref[...]
    rel = jnp.abs(ml - L) / jnp.maximum(ml, L)
    kin = jnp.exp(rel * (-_KIN_COEF))

    col = lax.broadcasted_iota(jnp.int32, s.shape, 1)
    valid = (col + t * _TILE) < K
    s = jnp.where(valid, s * kin, -jnp.inf)

    Ts = [t0[...], t1[...], t2[...], t3[...]]
    Is = [i0[...], i1[...], i2[...], i3[...]]
    for r in range(_TOPK):
        m = jnp.max(s, axis=1, keepdims=True)
        hit = s == m
        a = jnp.min(jnp.where(hit, col, _TILE), axis=1, keepdims=True)
        gidx = a + t * _TILE
        if r < _TOPK - 1:
            s = jnp.where(col == a, -jnp.inf, s)
        c = [m > Ts[j] for j in range(_TOPK)]
        nT = [None] * _TOPK
        nI = [None] * _TOPK
        nT[0] = jnp.where(c[0], m, Ts[0])
        nI[0] = jnp.where(c[0], gidx, Is[0])
        for j in range(1, _TOPK):
            nT[j] = jnp.where(c[j], jnp.where(c[j - 1], Ts[j - 1], m), Ts[j])
            nI[j] = jnp.where(c[j], jnp.where(c[j - 1], Is[j - 1], gidx), Is[j])
        Ts, Is = nT, nI
    t0[...], t1[...], t2[...], t3[...] = Ts
    i0[...], i1[...], i2[...], i3[...] = Is

    @pl.when(t == nt - 1)
    def _emit():
        outs_ref[...] = jnp.concatenate(Ts, axis=1)
        outi_ref[...] = jnp.concatenate(Is, axis=1)


def _score_topk(qf, keys, mlf, Lf):
    B, D = qf.shape
    K = keys.shape[0]
    nt = pl.cdiv(K, _TILE)
    body = functools.partial(_score_topk_body, K, nt)
    return pl.pallas_call(
        body,
        grid=(nt,),
        in_specs=[
            pl.BlockSpec((B, D), lambda t: (0, 0)),
            pl.BlockSpec((_TILE, D), lambda t: (t, 0)),
            pl.BlockSpec((1, _TILE), lambda t: (0, t)),
            pl.BlockSpec((B, 1), lambda t: (0, 0)),
        ],
        out_specs=[
            pl.BlockSpec((B, _TOPK), lambda t: (0, 0)),
            pl.BlockSpec((B, _TOPK), lambda t: (0, 0)),
        ],
        out_shape=[
            jax.ShapeDtypeStruct((B, _TOPK), jnp.float32),
            jax.ShapeDtypeStruct((B, _TOPK), jnp.int32),
        ],
        scratch_shapes=(
            [pltpu.VMEM((B, D), jnp.float32)]
            + [pltpu.VMEM((B, 1), jnp.float32) for _ in range(_TOPK)]
            + [pltpu.VMEM((B, 1), jnp.int32) for _ in range(_TOPK)]
        ),
        compiler_params=pltpu.CompilerParams(
            dimension_semantics=("arbitrary",)),
    )(qf, keys, mlf, Lf)


def _sc_gather(table, idx_flat):
    R = idx_flat.shape[0]
    D = table.shape[1]
    info = plsc.get_sparse_core_info()
    NC, NS = info.num_cores, info.num_subcores
    NW = NC * NS
    b_per_w = R // NW
    mesh = plsc.VectorSubcoreMesh(core_axis_name="c", subcore_axis_name="s")

    @functools.partial(
        pl.kernel, mesh=mesh,
        out_type=jax.ShapeDtypeStruct((R, D), jnp.float32),
        scratch_types=[
            pltpu.VMEM((b_per_w,), jnp.int32),
            pltpu.VMEM((b_per_w, D), jnp.float32),
            pltpu.SemaphoreType.DMA,
        ],
    )
    def gather_k(table_hbm, idx_hbm, out_hbm, idx_v, rows_v, sem):
        wid = lax.axis_index("s") * NC + lax.axis_index("c")
        base = wid * b_per_w
        pltpu.sync_copy(idx_hbm.at[pl.ds(base, b_per_w)], idx_v)
        pltpu.async_copy(table_hbm.at[idx_v], rows_v, sem).wait()
        pltpu.sync_copy(rows_v, out_hbm.at[pl.ds(base, b_per_w)])

    return gather_k(table, idx_flat)


def _proj_body(g_ref, w_ref, b_ref, o_ref):
    o_ref[...] = (
        jnp.dot(g_ref[...], w_ref[...], preferred_element_type=jnp.float32)
        + b_ref[...]
    )


def _proj(g, W, b):
    R, D = g.shape
    return pl.pallas_call(
        _proj_body,
        out_shape=jax.ShapeDtypeStruct((R, D), jnp.float32),
    )(g, W, b.reshape(1, D))


def kernel(query_features, text_features, m_lengths, lengths, W_proj, b_proj):
    B, D = query_features.shape
    K = text_features.shape[0]
    nt = pl.cdiv(K, _TILE)

    mlf = jnp.maximum(m_lengths.astype(jnp.float32), 1.0)
    mlf = jnp.pad(mlf, (0, nt * _TILE - K), constant_values=1.0).reshape(1, nt * _TILE)
    Lf = jnp.maximum(lengths.astype(jnp.float32), 1.0).reshape(B, 1)

    top_scores, top_idx = _score_topk(query_features, text_features, mlf, Lf)
    gathered = _sc_gather(text_features, top_idx.reshape(B * _TOPK))
    re_feat = _proj(gathered, W_proj, b_proj).reshape(B, _TOPK, D)
    return top_scores, top_idx, re_feat

# --- scband reference (transcript-rebuilt; emitter-appended) ---
"""Pipeline reference for scband-retrieval-database-1769526526134 (READ-ONLY COPY).

The authoritative reference and input builder live on the scoring server;
editing this copy changes nothing except your own understanding.
"""

import jax, jax.numpy as jnp
import numpy as np

NUM_RETRIEVAL = 4
KINEMATIC_COEF = 0.1


def setup_inputs(seed: int = 0) -> dict:
    key = jax.random.key(seed)
    k1, k2, k3, k4, k5 = jax.random.split(key, 5)
    query_features = jax.random.normal(k1, (512, 512), dtype=jnp.float32)
    text_features = jax.random.normal(k2, (100000, 512), dtype=jnp.float32)
    m_lengths = jax.random.randint(k3, (100000,), 1, 196, dtype=jnp.int32)
    lengths = jax.random.randint(k4, (512,), 1, 196, dtype=jnp.int32)
    # learned params of motion_proj-style linear applied to retrieved features
    W_proj = jax.random.normal(k5, (512, 512), dtype=jnp.float32) * (1.0 / np.sqrt(512.0))
    b_proj = jnp.zeros((512,), dtype=jnp.float32)
    return {
        "query_features": query_features,
        "text_features": text_features,
        "m_lengths": m_lengths,
        "lengths": lengths,
        "W_proj": W_proj,
        "b_proj": b_proj,
    }


def reference(query_features, text_features, m_lengths, lengths, W_proj, b_proj):
    eps = 1e-8
    # F.cosine_similarity(self.text_features, text_feature), batched over queries
    qn = query_features / (jnp.linalg.norm(query_features, axis=-1, keepdims=True) + eps)
    kn = text_features / (jnp.linalg.norm(text_features, axis=-1, keepdims=True) + eps)
    semantic_score = qn @ kn.T  # [B, K]
    # rel_length = |m_lengths - length| / clamp(m_lengths, min=length)
    ml = jnp.maximum(m_lengths.astype(jnp.float32), 1.0)  # [K]
    L = jnp.maximum(lengths.astype(jnp.float32), 1.0)     # [B]
    rel_length = jnp.abs(ml[None, :] - L[:, None]) / jnp.maximum(ml[None, :], L[:, None])
    kinematic_score = jnp.exp(-rel_length * KINEMATIC_COEF)
    score = semantic_score * kinematic_score  # [B, K]
    # argsort(score, descending) truncated to num_retrieval == top_k
    top_scores, top_idx = jax.lax.top_k(score, NUM_RETRIEVAL)  # [B, R]
    # gather retrieved entries and project (motion_proj analogue)
    gathered = jnp.take(text_features, top_idx, axis=0)  # [B, R, 512]
    re_feat = gathered @ W_proj + b_proj                  # [B, R, 512]
    return top_scores, top_idx, re_feat

if __name__ == "__main__":
    import jax
    _d = setup_inputs()
    print(jax.jit(kernel)(*tuple(_d.values())))

</pallas_src>

<mosaic_0001>
#map = affine_map<(d0, d1) -> (0, 0)>
#map1 = affine_map<(d0, d1) -> (0)>
module attributes {stable_mosaic.version = 14 : i64} {
  func.func @gather_k(%arg0: i32, %arg1: i32, %arg2: memref<100000x512xf32, #tpu.memory_space<hbm>>, %arg3: memref<2048xi32, #tpu.memory_space<hbm>>, %arg4: memref<2048x512xf32, #tpu.memory_space<hbm>>, %arg5: memref<64xi32, #tpu.memory_space<vmem>>, %arg6: memref<64x512xf32, #tpu.memory_space<vmem>>, %arg7: memref<!tpu.dma_semaphore, #tpu.memory_space<semaphore_mem>>) attributes {dimension_semantics = [#tpu.dimension_semantics<core_parallel>, #tpu.dimension_semantics<subcore_parallel>], iteration_bounds = array<i64: 2, 16>, scalar_prefetch = 0 : i64, scratch_operands = 3 : i64, tpu.core_type = #tpu.core_type<sc_vector_subcore>, window_params = [{transform_indices = #map}, {transform_indices = #map1}, {transform_indices = #map}]} {
    %mul3A = arith.constant 2 : i32
    %mul3A_0 = arith.muli %arg1, %mul3A : i32
    %add3A = arith.addi %mul3A_0, %arg0 : i32
    %mul3A_1 = arith.constant 64 : i32
    %mul3A_2 = arith.muli %add3A, %mul3A_1 : i32
    "tpu.region"() ({
      %run_scoped3A = tpu.sem_alloc : memref<!tpu.dma_semaphore, #tpu.memory_space<semaphore_mem>>
      %dma_start3A_7 = tpu.memref_slice %arg3[%mul3A_2] : memref<2048xi32, #tpu.memory_space<hbm>> -> memref<64xi32, #tpu.memory_space<hbm>>
      %dma_start3A_8 = tpu.memref_slice %arg3[%mul3A_2] : memref<2048xi32, #tpu.memory_space<hbm>> -> memref<64xi32, #tpu.memory_space<hbm>>
      tpu.enqueue_dma source(%dma_start3A_8 : memref<64xi32, #tpu.memory_space<hbm>>) target(%arg5 : memref<64xi32, #tpu.memory_space<vmem>>) target_semaphore(%run_scoped3A : memref<!tpu.dma_semaphore, #tpu.memory_space<semaphore_mem>>)
      %dma_wait3A_9 = tpu.memref_slice %arg3[%mul3A_2] : memref<2048xi32, #tpu.memory_space<hbm>> -> memref<64xi32, #tpu.memory_space<hbm>>
      %dma_wait3A_10 = tpu.memref_slice %arg3[%mul3A_2] : memref<2048xi32, #tpu.memory_space<hbm>> -> memref<64xi32, #tpu.memory_space<hbm>>
      tpu.wait_dma2 semaphore(%run_scoped3A : memref<!tpu.dma_semaphore, #tpu.memory_space<semaphore_mem>>) src(%dma_wait3A_10 : memref<64xi32, #tpu.memory_space<hbm>>) dst(%arg5 : memref<64xi32, #tpu.memory_space<vmem>>)
      tpu.yield
    }) : () -> ()
    %dma_start3A = arith.constant 0 : i32
    %dma_start3A_3 = arith.constant 0 : i32
    %dma_start3A_4 = tpu.memref_slice %arg2[%dma_start3A, %dma_start3A_3] : memref<100000x512xf32, #tpu.memory_space<hbm>> -> memref<100000x512xf32, #tpu.memory_space<hbm>>
    tpu.enqueue_indirect_dma source(%dma_start3A_4 : memref<100000x512xf32, #tpu.memory_space<hbm>>) target(%arg6 : memref<64x512xf32, #tpu.memory_space<vmem>>) offsets(%arg5 : memref<64xi32, #tpu.memory_space<vmem>>) semaphore(%arg7 : memref<!tpu.dma_semaphore, #tpu.memory_space<semaphore_mem>>)
    %dma_wait3A = arith.constant 0 : i32
    %dma_wait3A_5 = arith.constant 0 : i32
    %dma_wait3A_6 = tpu.memref_slice %arg2[%dma_wait3A, %dma_wait3A_5] : memref<100000x512xf32, #tpu.memory_space<hbm>> -> memref<100000x512xf32, #tpu.memory_space<hbm>>
    tpu.wait_indirect_dma semaphore(%arg7 : memref<!tpu.dma_semaphore, #tpu.memory_space<semaphore_mem>>) src(%dma_wait3A_6 : memref<100000x512xf32, #tpu.memory_space<hbm>>) dst(%arg6 : memref<64x512xf32, #tpu.memory_space<vmem>>)
    "tpu.region"() ({
      %run_scoped3A = tpu.sem_alloc : memref<!tpu.dma_semaphore, #tpu.memory_space<semaphore_mem>>
      %dma_start3A_7 = arith.constant 0 : i32
      %dma_start3A_8 = tpu.memref_slice %arg4[%mul3A_2, %dma_start3A_7] : memref<2048x512xf32, #tpu.memory_space<hbm>> -> memref<64x512xf32, #tpu.memory_space<hbm>>
      %dma_start3A_9 = arith.constant 0 : i32
      %dma_start3A_10 = tpu.memref_slice %arg4[%mul3A_2, %dma_start3A_9] : memref<2048x512xf32, #tpu.memory_space<hbm>> -> memref<64x512xf32, #tpu.memory_space<hbm>>
      tpu.enqueue_dma source(%arg6 : memref<64x512xf32, #tpu.memory_space<vmem>>) target(%dma_start3A_10 : memref<64x512xf32, #tpu.memory_space<hbm>>) target_semaphore(%run_scoped3A : memref<!tpu.dma_semaphore, #tpu.memory_space<semaphore_mem>>)
      %dma_wait3A_11 = arith.constant 0 : i32
      %dma_wait3A_12 = tpu.memref_slice %arg4[%mul3A_2, %dma_wait3A_11] : memref<2048x512xf32, #tpu.memory_space<hbm>> -> memref<64x512xf32, #tpu.memory_space<hbm>>
      %dma_wait3A_13 = arith.constant 0 : i32
      %dma_wait3A_14 = tpu.memref_slice %arg4[%mul3A_2, %dma_wait3A_13] : memref<2048x512xf32, #tpu.memory_space<hbm>> -> memref<64x512xf32, #tpu.memory_space<hbm>>
      tpu.wait_dma2 semaphore(%run_scoped3A : memref<!tpu.dma_semaphore, #tpu.memory_space<semaphore_mem>>) src(%arg6 : memref<64x512xf32, #tpu.memory_space<vmem>>) dst(%dma_wait3A_14 : memref<64x512xf32, #tpu.memory_space<hbm>>)
      tpu.yield
    }) : () -> ()
    return
  }
}

module attributes {stable_mosaic.version = 14 : i64} {
  func.func @_proj_body(%arg0: memref<2048x512xf32, #tpu.memory_space<vmem>>, %arg1: memref<512x512xf32, #tpu.memory_space<vmem>>, %arg2: memref<1x512xf32, #tpu.memory_space<vmem>>, %arg3: memref<2048x512xf32, #tpu.memory_space<vmem>>) attributes {dimension_semantics = [], scalar_prefetch = 0 : i64, scratch_operands = 0 : i64, tpu.core_type = #tpu.core_type<tc>} {
    %get3A = arith.constant 0 : index
    %get3A_0 = arith.constant 0 : index
    %get3A_1 = vector.load %arg0[%get3A, %get3A_0] : memref<2048x512xf32, #tpu.memory_space<vmem>>, vector<2048x512xf32>
    %get3A_2 = arith.constant 0 : index
    %get3A_3 = arith.constant 0 : index
    %get3A_4 = vector.load %arg1[%get3A_2, %get3A_3] : memref<512x512xf32, #tpu.memory_space<vmem>>, vector<512x512xf32>
    %dot_general3A = arith.constant dense<0.000000e+00> : vector<2048x512xf32>
    %dot_general3A_5 = tpu.matmul %get3A_1, %get3A_4, %dot_general3A {dimension_numbers = #tpu.dot_dimension_numbers<[1], [0], [0], [1], [0, 0, 1, 1], [], []>, transpose_lhs_hint = false} : vector<2048x512xf32>, vector<512x512xf32>, vector<2048x512xf32> -> vector<2048x512xf32>
    %get3A_6 = arith.constant 0 : index
    %get3A_7 = arith.constant 0 : index
    %get3A_8 = vector.load %arg2[%get3A_6, %get3A_7] : memref<1x512xf32, #tpu.memory_space<vmem>>, vector<1x512xf32>
    %add3A = vector.broadcast %get3A_8 : vector<1x512xf32> to vector<2048x512xf32>
    %add3A_9 = arith.addf %dot_general3A_5, %add3A : vector<2048x512xf32>
    %swap3A = arith.constant 0 : index
    %swap3A_10 = arith.constant 0 : index
    %swap3A_11 = vector.load %arg3[%swap3A, %swap3A_10] : memref<2048x512xf32, #tpu.memory_space<vmem>>, vector<2048x512xf32>
    tpu.vector_store %arg3[%swap3A, %swap3A_10], %add3A_9 {strides = array<i32>} : memref<2048x512xf32, #tpu.memory_space<vmem>>, vector<2048x512xf32>,
    return
  }
}

module attributes {stable_mosaic.version = 14 : i64} {
  func.func @_score_topk_body(%arg0: i32, %arg1: memref<512x512xf32, #tpu.memory_space<vmem>>, %arg2: memref<4096x512xf32, #tpu.memory_space<vmem>>, %arg3: memref<1x4096xf32, #tpu.memory_space<vmem>>, %arg4: memref<512x1xf32, #tpu.memory_space<vmem>>, %arg5: memref<512x4xf32, #tpu.memory_space<vmem>>, %arg6: memref<512x4xi32, #tpu.memory_space<vmem>>, %arg7: memref<512x512xf32, #tpu.memory_space<vmem>>, %arg8: memref<512x1xf32, #tpu.memory_space<vmem>>, %arg9: memref<512x1xf32, #tpu.memory_space<vmem>>, %arg10: memref<512x1xf32, #tpu.memory_space<vmem>>, %arg11: memref<512x1xf32, #tpu.memory_space<vmem>>, %arg12: memref<512x1xi32, #tpu.memory_space<vmem>>, %arg13: memref<512x1xi32, #tpu.memory_space<vmem>>, %arg14: memref<512x1xi32, #tpu.memory_space<vmem>>, %arg15: memref<512x1xi32, #tpu.memory_space<vmem>>) attributes {dimension_semantics = [#tpu.dimension_semantics<arbitrary>], iteration_bounds = array<i64: 25>, scalar_prefetch = 0 : i64, scratch_operands = 9 : i64, tpu.core_type = #tpu.core_type<tc>, window_params = [{pipeline_mode = #tpu.pipeline_mode<synchronous>, transform_indices = @transform_0, window_bounds = array<i64: 512, 512>}, {transform_indices = @transform_1, window_bounds = array<i64: 4096, 512>}, {transform_indices = @transform_2, window_bounds = array<i64: 1, 4096>}, {pipeline_mode = #tpu.pipeline_mode<synchronous>, transform_indices = @transform_3, window_bounds = array<i64: 512, 1>}, {pipeline_mode = #tpu.pipeline_mode<synchronous>, transform_indices = @transform_4, window_bounds = array<i64: 512, 4>}, {pipeline_mode = #tpu.pipeline_mode<synchronous>, transform_indices = @transform_5, window_bounds = array<i64: 512, 4>}]} {
    %eq3A = arith.constant 0 : i32
    %eq3A_0 = arith.cmpi eq, %arg0, %eq3A : i32
    %convert_element_type3A = arith.extui %eq3A_0 : i1 to i32
    %cond3A = arith.constant 0 : i32
    %cond3A_1 = arith.cmpi ne, %convert_element_type3A, %cond3A : i32
    scf.if %cond3A_1 {
      %get3A_233 = arith.constant 0 : index
      %get3A_234 = arith.constant 0 : index
      %get3A_235 = vector.load %arg1[%get3A_233, %get3A_234] : memref<512x512xf32, #tpu.memory_space<vmem>>, vector<512x512xf32>
      %mul3A_236 = arith.mulf %get3A_235, %get3A_235 : vector<512x512xf32>
      %reduce_sum3A_237 = arith.constant dense<0.000000e+00> : vector<512xf32>
      %reduce_sum3A_238 = vector.multi_reduction <add>, %mul3A_236, %reduce_sum3A_237 [1] : vector<512x512xf32> to vector<512xf32>
      %broadcast_in_dim3A_239 = vector.shape_cast %reduce_sum3A_238 : vector<512xf32> to vector<512x1xf32>
      %sqrt3A_240 = math.sqrt %broadcast_in_dim3A_239 : vector<512x1xf32>
      %add3A_241 = arith.constant 9.99999993E-9 : f32
      %add3A_242 = vector.broadcast %add3A_241 : f32 to vector<512x1xf32>
      %add3A_243 = arith.addf %sqrt3A_240, %add3A_242 : vector<512x1xf32>
      %div3A_244 = arith.constant 1.000000e+00 : f32
      %div3A_245 = vector.broadcast %div3A_244 : f32 to vector<512x1xf32>
      %div3A_246 = arith.divf %div3A_245, %add3A_243 : vector<512x1xf32>
      %mul3A_247 = vector.broadcast %div3A_246 : vector<512x1xf32> to vector<512x512xf32>
      %mul3A_248 = arith.mulf %get3A_235, %mul3A_247 : vector<512x512xf32>
      %swap3A_249 = arith.constant 0 : index
      %swap3A_250 = arith.constant 0 : index
      %swap3A_251 = vector.load %arg7[%swap3A_249, %swap3A_250] : memref<512x512xf32, #tpu.memory_space<vmem>>, vector<512x512xf32>
      tpu.vector_store %arg7[%swap3A_249, %swap3A_250], %mul3A_248 {strides = array<i32>} : memref<512x512xf32, #tpu.memory_space<vmem>>, vector<512x512xf32>,
      %broadcast_in_dim3A_252 = arith.constant 0xFF800000 : f32
      %broadcast_in_dim3A_253 = vector.broadcast %broadcast_in_dim3A_252 : f32 to vector<512x1xf32>
      %broadcast_in_dim3A_254 = arith.constant 0 : i32
      %broadcast_in_dim3A_255 = vector.broadcast %broadcast_in_dim3A_254 : i32 to vector<512x1xi32>
      %swap3A_256 = arith.constant 0 : index
      %swap3A_257 = arith.constant 0 : index
      %swap3A_258 = vector.load %arg8[%swap3A_256, %swap3A_257] : memref<512x1xf32, #tpu.memory_space<vmem>>, vector<512x1xf32>
      tpu.vector_store %arg8[%swap3A_256, %swap3A_257], %broadcast_in_dim3A_253 {strides = array<i32>} : memref<512x1xf32, #tpu.memory_space<vmem>>, vector<512x1xf32>,
      %swap3A_259 = arith.constant 0 : index
      %swap3A_260 = arith.constant 0 : index
      %swap3A_261 = vector.load %arg9[%swap3A_259, %swap3A_260] : memref<512x1xf32, #tpu.memory_space<vmem>>, vector<512x1xf32>
      tpu.vector_store %arg9[%swap3A_259, %swap3A_260], %broadcast_in_dim3A_253 {strides = array<i32>} : memref<512x1xf32, #tpu.memory_space<vmem>>, vector<512x1xf32>,
      %swap3A_262 = arith.constant 0 : index
      %swap3A_263 = arith.constant 0 : index
      %swap3A_264 = vector.load %arg10[%swap3A_262, %swap3A_263] : memref<512x1xf32, #tpu.memory_space<vmem>>, vector<512x1xf32>
      tpu.vector_store %arg10[%swap3A_262, %swap3A_263], %broadcast_in_dim3A_253 {strides = array<i32>} : memref<512x1xf32, #tpu.memory_space<vmem>>, vector<512x1xf32>,
      %swap3A_265 = arith.constant 0 : index
      %swap3A_266 = arith.constant 0 : index
      %swap3A_267 = vector.load %arg11[%swap3A_265, %swap3A_266] : memref<512x1xf32, #tpu.memory_space<vmem>>, vector<512x1xf32>
      tpu.vector_store %arg11[%swap3A_265, %swap3A_266], %broadcast_in_dim3A_253 {strides = array<i32>} : memref<512x1xf32, #tpu.memory_space<vmem>>, vector<512x1xf32>,
      %swap3A_268 = arith.constant 0 : index
      %swap3A_269 = arith.constant 0 : index
      %swap3A_270 = vector.load %arg12[%swap3A_268, %swap3A_269] : memref<512x1xi32, #tpu.memory_space<vmem>>, vector<512x1xi32>
      tpu.vector_store %arg12[%swap3A_268, %swap3A_269], %broadcast_in_dim3A_255 {strides = array<i32>} : memref<512x1xi32, #tpu.memory_space<vmem>>, vector<512x1xi32>,
      %swap3A_271 = arith.constant 0 : index
      %swap3A_272 = arith.constant 0 : index
      %swap3A_273 = vector.load %arg13[%swap3A_271, %swap3A_272] : memref<512x1xi32, #tpu.memory_space<vmem>>, vector<512x1xi32>
      tpu.vector_store %arg13[%swap3A_271, %swap3A_272], %broadcast_in_dim3A_255 {strides = array<i32>} : memref<512x1xi32, #tpu.memory_space<vmem>>, vector<512x1xi32>,
      %swap3A_274 = arith.constant 0 : index
      %swap3A_275 = arith.constant 0 : index
      %swap3A_276 = vector.load %arg14[%swap3A_274, %swap3A_275] : memref<512x1xi32, #tpu.memory_space<vmem>>, vector<512x1xi32>
      tpu.vector_store %arg14[%swap3A_274, %swap3A_275], %broadcast_in_dim3A_255 {strides = array<i32>} : memref<512x1xi32, #tpu.memory_space<vmem>>, vector<512x1xi32>,
      %swap3A_277 = arith.constant 0 : index
      %swap3A_278 = arith.constant 0 : index
      %swap3A_279 = vector.load %arg15[%swap3A_277, %swap3A_278] : memref<512x1xi32, #tpu.memory_space<vmem>>, vector<512x1xi32>
      tpu.vector_store %arg15[%swap3A_277, %swap3A_278], %broadcast_in_dim3A_255 {strides = array<i32>} : memref<512x1xi32, #tpu.memory_space<vmem>>, vector<512x1xi32>,
    } else {
    }
    %get3A = arith.constant 0 : index
    %get3A_2 = arith.constant 0 : index
    %get3A_3 = vector.load %arg2[%get3A, %get3A_2] : memref<4096x512xf32, #tpu.memory_space<vmem>>, vector<4096x512xf32>
    %mul3A = arith.mulf %get3A_3, %get3A_3 : vector<4096x512xf32>
    %reduce_sum3A = arith.constant dense<0.000000e+00> : vector<4096xf32>
    %reduce_sum3A_4 = vector.multi_reduction <add>, %mul3A, %reduce_sum3A [1] : vector<4096x512xf32> to vector<4096xf32>
    %broadcast_in_dim3A = vector.shape_cast %reduce_sum3A_4 : vector<4096xf32> to vector<4096x1xf32>
    %sqrt3A = math.sqrt %broadcast_in_dim3A : vector<4096x1xf32>
    %add3A = arith.constant 9.99999993E-9 : f32
    %add3A_5 = vector.broadcast %add3A : f32 to vector<4096x1xf32>
    %add3A_6 = arith.addf %sqrt3A, %add3A_5 : vector<4096x1xf32>
    %div3A = arith.constant 1.000000e+00 : f32
    %div3A_7 = vector.broadcast %div3A : f32 to vector<4096x1xf32>
    %div3A_8 = arith.divf %div3A_7, %add3A_6 : vector<4096x1xf32>
    %mul3A_9 = vector.broadcast %div3A_8 : vector<4096x1xf32> to vector<4096x512xf32>
    %mul3A_10 = arith.mulf %get3A_3, %mul3A_9 : vector<4096x512xf32>
    %get3A_11 = arith.constant 0 : index
    %get3A_12 = arith.constant 0 : index
    %get3A_13 = vector.load %arg7[%get3A_11, %get3A_12] : memref<512x512xf32, #tpu.memory_space<vmem>>, vector<512x512xf32>
    %dot_general3A = arith.constant dense<0.000000e+00> : vector<512x4096xf32>
    %dot_general3A_14 = tpu.matmul %get3A_13, %mul3A_10, %dot_general3A {dimension_numbers = #tpu.dot_dimension_numbers<[1], [1], [0], [0], [0, 0, 1, 0], [], []>, transpose_lhs_hint = false} : vector<512x512xf32>, vector<4096x512xf32>, vector<512x4096xf32> -> vector<512x4096xf32>
    %get3A_15 = arith.constant 0 : index
    %get3A_16 = arith.constant 0 : index
    %get3A_17 = vector.load %arg3[%get3A_15, %get3A_16] : memref<1x4096xf32, #tpu.memory_space<vmem>>, vector<1x4096xf32>
    %get3A_18 = arith.constant 0 : index
    %get3A_19 = arith.constant 0 : index
    %get3A_20 = vector.load %arg4[%get3A_18, %get3A_19] : memref<512x1xf32, #tpu.memory_space<vmem>>, vector<512x1xf32>
    %sub3A = vector.broadcast %get3A_17 : vector<1x4096xf32> to vector<512x4096xf32>
    %sub3A_21 = vector.broadcast %get3A_20 : vector<512x1xf32> to vector<512x4096xf32>
    %sub3A_22 = arith.subf %sub3A, %sub3A_21 : vector<512x4096xf32>
    %abs3A = math.absf %sub3A_22 : vector<512x4096xf32>
    %max3A = vector.broadcast %get3A_17 : vector<1x4096xf32> to vector<512x4096xf32>
    %max3A_23 = vector.broadcast %get3A_20 : vector<512x1xf32> to vector<512x4096xf32>
    %max3A_24 = arith.maximumf %max3A, %max3A_23 : vector<512x4096xf32>
    %div3A_25 = arith.divf %abs3A, %max3A_24 : vector<512x4096xf32>
    %mul3A_26 = arith.constant -1.000000e-01 : f32
    %mul3A_27 = vector.broadcast %mul3A_26 : f32 to vector<512x4096xf32>
    %mul3A_28 = arith.mulf %div3A_25, %mul3A_27 : vector<512x4096xf32>
    %exp3A = math.exp %mul3A_28 : vector<512x4096xf32>
    %iota3A = tpu.iota {dimensions = array<i32: 1>} : vector<512x4096xi32>
    %mul3A_29 = arith.constant 4096 : i32
    %mul3A_30 = arith.muli %arg0, %mul3A_29 : i32
    %add3A_31 = vector.broadcast %mul3A_30 : i32 to vector<512x4096xi32>
    %add3A_32 = arith.addi %iota3A, %add3A_31 : vector<512x4096xi32>
    %lt3A = arith.constant 100000 : i32
    %lt3A_33 = vector.broadcast %lt3A : i32 to vector<512x4096xi32>
    %lt3A_34 = arith.cmpi slt, %add3A_32, %lt3A_33 : vector<512x4096xi32>
    %mul3A_35 = arith.mulf %dot_general3A_14, %exp3A : vector<512x4096xf32>
    %jit3A = arith.constant 0xFF800000 : f32
    %broadcast_in_dim3A_36 = vector.broadcast %jit3A : f32 to vector<512x4096xf32>
    %select_n3A = arith.select %lt3A_34, %mul3A_35, %broadcast_in_dim3A_36 : vector<512x4096xi1>, vector<512x4096xf32>
    %get3A_37 = arith.constant 0 : index
    %get3A_38 = arith.constant 0 : index
    %get3A_39 = vector.load %arg8[%get3A_37, %get3A_38] : memref<512x1xf32, #tpu.memory_space<vmem>>, vector<512x1xf32>
    %get3A_40 = arith.constant 0 : index
    %get3A_41 = arith.constant 0 : index
    %get3A_42 = vector.load %arg9[%get3A_40, %get3A_41] : memref<512x1xf32, #tpu.memory_space<vmem>>, vector<512x1xf32>
    %get3A_43 = arith.constant 0 : index
    %get3A_44 = arith.constant 0 : index
    %get3A_45 = vector.load %arg10[%get3A_43, %get3A_44] : memref<512x1xf32, #tpu.memory_space<vmem>>, vector<512x1xf32>
    %get3A_46 = arith.constant 0 : index
    %get3A_47 = arith.constant 0 : index
    %get3A_48 = vector.load %arg11[%get3A_46, %get3A_47] : memref<512x1xf32, #tpu.memory_space<vmem>>, vector<512x1xf32>
    %get3A_49 = arith.constant 0 : index
    %get3A_50 = arith.constant 0 : index
    %get3A_51 = vector.load %arg12[%get3A_49, %get3A_50] : memref<512x1xi32, #tpu.memory_space<vmem>>, vector<512x1xi32>
    %get3A_52 = arith.constant 0 : index
    %get3A_53 = arith.constant 0 : index
    %get3A_54 = vector.load %arg13[%get3A_52, %get3A_53] : memref<512x1xi32, #tpu.memory_space<vmem>>, vector<512x1xi32>
    %get3A_55 = arith.constant 0 : index
    %get3A_56 = arith.constant 0 : index
    %get3A_57 = vector.load %arg14[%get3A_55, %get3A_56] : memref<512x1xi32, #tpu.memory_space<vmem>>, vector<512x1xi32>
    %get3A_58 = arith.constant 0 : index
    %get3A_59 = arith.constant 0 : index
    %get3A_60 = vector.load %arg15[%get3A_58, %get3A_59] : memref<512x1xi32, #tpu.memory_space<vmem>>, vector<512x1xi32>
    %reduce_max3A = arith.constant dense<0xFF800000> : vector<512xf32>
    %reduce_max3A_61 = vector.multi_reduction <maximumf>, %select_n3A, %reduce_max3A [1] : vector<512x4096xf32> to vector<512xf32>
    %broadcast_in_dim3A_62 = vector.shape_cast %reduce_max3A_61 : vector<512xf32> to vector<512x1xf32>
    %eq3A_63 = vector.broadcast %broadcast_in_dim3A_62 : vector<512x1xf32> to vector<512x4096xf32>
    %eq3A_64 = arith.cmpf oeq, %select_n3A, %eq3A_63 : vector<512x4096xf32>
    %jit3A_65 = arith.constant 4096 : i32
    %broadcast_in_dim3A_66 = vector.broadcast %jit3A_65 : i32 to vector<512x4096xi32>
    %select_n3A_67 = arith.select %eq3A_64, %iota3A, %broadcast_in_dim3A_66 : vector<512x4096xi1>, vector<512x4096xi32>
    %reduce_min3A = arith.constant dense<2147483647> : vector<512xi32>
    %reduce_min3A_68 = vector.multi_reduction <minsi>, %select_n3A_67, %reduce_min3A [1] : vector<512x4096xi32> to vector<512xi32>
    %broadcast_in_dim3A_69 = vector.shape_cast %reduce_min3A_68 : vector<512xi32> to vector<512x1xi32>
    %mul3A_70 = arith.constant 4096 : i32
    %mul3A_71 = arith.muli %arg0, %mul3A_70 : i32
    %add3A_72 = vector.broadcast %mul3A_71 : i32 to vector<512x1xi32>
    %add3A_73 = arith.addi %broadcast_in_dim3A_69, %add3A_72 : vector<512x1xi32>
    %eq3A_74 = vector.broadcast %broadcast_in_dim3A_69 : vector<512x1xi32> to vector<512x4096xi32>
    %eq3A_75 = arith.cmpi eq, %iota3A, %eq3A_74 : vector<512x4096xi32>
    %jit3A_76 = arith.constant 0xFF800000 : f32
    %broadcast_in_dim3A_77 = vector.broadcast %jit3A_76 : f32 to vector<512x4096xf32>
    %select_n3A_78 = arith.select %eq3A_75, %broadcast_in_dim3A_77, %select_n3A : vector<512x4096xi1>, vector<512x4096xf32>
    %gt3A = arith.cmpf ogt, %broadcast_in_dim3A_62, %get3A_39 : vector<512x1xf32>
    %gt3A_79 = arith.cmpf ogt, %broadcast_in_dim3A_62, %get3A_42 : vector<512x1xf32>
    %gt3A_80 = arith.cmpf ogt, %broadcast_in_dim3A_62, %get3A_45 : vector<512x1xf32>
    %gt3A_81 = arith.cmpf ogt, %broadcast_in_dim3A_62, %get3A_48 : vector<512x1xf32>
    %select_n3A_82 = arith.select %gt3A, %broadcast_in_dim3A_62, %get3A_39 : vector<512x1xi1>, vector<512x1xf32>
    %select_n3A_83 = arith.select %gt3A, %add3A_73, %get3A_51 : vector<512x1xi1>, vector<512x1xi32>
    %select_n3A_84 = arith.select %gt3A, %get3A_39, %broadcast_in_dim3A_62 : vector<512x1xi1>, vector<512x1xf32>
    %select_n3A_85 = arith.select %gt3A_79, %select_n3A_84, %get3A_42 : vector<512x1xi1>, vector<512x1xf32>
    %select_n3A_86 = arith.select %gt3A, %get3A_51, %add3A_73 : vector<512x1xi1>, vector<512x1xi32>
    %select_n3A_87 = arith.select %gt3A_79, %select_n3A_86, %get3A_54 : vector<512x1xi1>, vector<512x1xi32>
    %select_n3A_88 = arith.select %gt3A_79, %get3A_42, %broadcast_in_dim3A_62 : vector<512x1xi1>, vector<512x1xf32>
    %select_n3A_89 = arith.select %gt3A_80, %select_n3A_88, %get3A_45 : vector<512x1xi1>, vector<512x1xf32>
    %select_n3A_90 = arith.select %gt3A_79, %get3A_54, %add3A_73 : vector<512x1xi1>, vector<512x1xi32>
    %select_n3A_91 = arith.select %gt3A_80, %select_n3A_90, %get3A_57 : vector<512x1xi1>, vector<512x1xi32>
    %select_n3A_92 = arith.select %gt3A_80, %get3A_45, %broadcast_in_dim3A_62 : vector<512x1xi1>, vector<512x1xf32>
    %select_n3A_93 = arith.select %gt3A_81, %select_n3A_92, %get3A_48 : vector<512x1xi1>, vector<512x1xf32>
    %select_n3A_94 = arith.select %gt3A_80, %get3A_57, %add3A_73 : vector<512x1xi1>, vector<512x1xi32>
    %select_n3A_95 = arith.select %gt3A_81, %select_n3A_94, %get3A_60 : vector<512x1xi1>, vector<512x1xi32>
    %reduce_max3A_96 = arith.constant dense<0xFF800000> : vector<512xf32>
    %reduce_max3A_97 = vector.multi_reduction <maximumf>, %select_n3A_78, %reduce_max3A_96 [1] : vector<512x4096xf32> to vector<512xf32>
    %broadcast_in_dim3A_98 = vector.shape_cast %reduce_max3A_97 : vector<512xf32> to vector<512x1xf32>
    %eq3A_99 = vector.broadcast %broadcast_in_dim3A_98 : vector<512x1xf32> to vector<512x4096xf32>
    %eq3A_100 = arith.cmpf oeq, %select_n3A_78, %eq3A_99 : vector<512x4096xf32>
    %jit3A_101 = arith.constant 4096 : i32
    %broadcast_in_dim3A_102 = vector.broadcast %jit3A_101 : i32 to vector<512x4096xi32>
    %select_n3A_103 = arith.select %eq3A_100, %iota3A, %broadcast_in_dim3A_102 : vector<512x4096xi1>, vector<512x4096xi32>
    %reduce_min3A_104 = arith.constant dense<2147483647> : vector<512xi32>
    %reduce_min3A_105 = vector.multi_reduction <minsi>, %select_n3A_103, %reduce_min3A_104 [1] : vector<512x4096xi32> to vector<512xi32>
    %broadcast_in_dim3A_106 = vector.shape_cast %reduce_min3A_105 : vector<512xi32> to vector<512x1xi32>
    %mul3A_107 = arith.constant 4096 : i32
    %mul3A_108 = arith.muli %arg0, %mul3A_107 : i32
    %add3A_109 = vector.broadcast %mul3A_108 : i32 to vector<512x1xi32>
    %add3A_110 = arith.addi %broadcast_in_dim3A_106, %add3A_109 : vector<512x1xi32>
    %eq3A_111 = vector.broadcast %broadcast_in_dim3A_106 : vector<512x1xi32> to vector<512x4096xi32>
    %eq3A_112 = arith.cmpi eq, %iota3A, %eq3A_111 : vector<512x4096xi32>
    %jit3A_113 = arith.constant 0xFF800000 : f32
    %broadcast_in_dim3A_114 = vector.broadcast %jit3A_113 : f32 to vector<512x4096xf32>
    %select_n3A_115 = arith.select %eq3A_112, %broadcast_in_dim3A_114, %select_n3A_78 : vector<512x4096xi1>, vector<512x4096xf32>
    %gt3A_116 = arith.cmpf ogt, %broadcast_in_dim3A_98, %select_n3A_82 : vector<512x1xf32>
    %gt3A_117 = arith.cmpf ogt, %broadcast_in_dim3A_98, %select_n3A_85 : vector<512x1xf32>
    %gt3A_118 = arith.cmpf ogt, %broadcast_in_dim3A_98, %select_n3A_89 : vector<512x1xf32>
    %gt3A_119 = arith.cmpf ogt, %broadcast_in_dim3A_98, %select_n3A_93 : vector<512x1xf32>
    %select_n3A_120 = arith.select %gt3A_116, %broadcast_in_dim3A_98, %select_n3A_82 : vector<512x1xi1>, vector<512x1xf32>
    %select_n3A_121 = arith.select %gt3A_116, %add3A_110, %select_n3A_83 : vector<512x1xi1>, vector<512x1xi32>
    %select_n3A_122 = arith.select %gt3A_116, %select_n3A_82, %broadcast_in_dim3A_98 : vector<512x1xi1>, vector<512x1xf32>
    %select_n3A_123 = arith.select %gt3A_117, %select_n3A_122, %select_n3A_85 : vector<512x1xi1>, vector<512x1xf32>
    %select_n3A_124 = arith.select %gt3A_116, %select_n3A_83, %add3A_110 : vector<512x1xi1>, vector<512x1xi32>
    %select_n3A_125 = arith.select %gt3A_117, %select_n3A_124, %select_n3A_87 : vector<512x1xi1>, vector<512x1xi32>
    %select_n3A_126 = arith.select %gt3A_117, %select_n3A_85, %broadcast_in_dim3A_98 : vector<512x1xi1>, vector<512x1xf32>
    %select_n3A_127 = arith.select %gt3A_118, %select_n3A_126, %select_n3A_89 : vector<512x1xi1>, vector<512x1xf32>
    %select_n3A_128 = arith.select %gt3A_117, %select_n3A_87, %add3A_110 : vector<512x1xi1>, vector<512x1xi32>
    %select_n3A_129 = arith.select %gt3A_118, %select_n3A_128, %select_n3A_91 : vector<512x1xi1>, vector<512x1xi32>
    %select_n3A_130 = arith.select %gt3A_118, %select_n3A_89, %broadcast_in_dim3A_98 : vector<512x1xi1>, vector<512x1xf32>
    %select_n3A_131 = arith.select %gt3A_119, %select_n3A_130, %select_n3A_93 : vector<512x1xi1>, vector<512x1xf32>
    %select_n3A_132 = arith.select %gt3A_118, %select_n3A_91, %add3A_110 : vector<512x1xi1>, vector<512x1xi32>
    %select_n3A_133 = arith.select %gt3A_119, %select_n3A_132, %select_n3A_95 : vector<512x1xi1>, vector<512x1xi32>
    %reduce_max3A_134 = arith.constant dense<0xFF800000> : vector<512xf32>
    %reduce_max3A_135 = vector.multi_reduction <maximumf>, %select_n3A_115, %reduce_max3A_134 [1] : vector<512x4096xf32> to vector<512xf32>
    %broadcast_in_dim3A_136 = vector.shape_cast %reduce_max3A_135 : vector<512xf32> to vector<512x1xf32>
    %eq3A_137 = vector.broadcast %broadcast_in_dim3A_136 : vector<512x1xf32> to vector<512x4096xf32>
    %eq3A_138 = arith.cmpf oeq, %select_n3A_115, %eq3A_137 : vector<512x4096xf32>
    %jit3A_139 = arith.constant 4096 : i32
    %broadcast_in_dim3A_140 = vector.broadcast %jit3A_139 : i32 to vector<512x4096xi32>
    %select_n3A_141 = arith.select %eq3A_138, %iota3A, %broadcast_in_dim3A_140 : vector<512x4096xi1>, vector<512x4096xi32>
    %reduce_min3A_142 = arith.constant dense<2147483647> : vector<512xi32>
    %reduce_min3A_143 = vector.multi_reduction <minsi>, %select_n3A_141, %reduce_min3A_142 [1] : vector<512x4096xi32> to vector<512xi32>
    %broadcast_in_dim3A_144 = vector.shape_cast %reduce_min3A_143 : vector<512xi32> to vector<512x1xi32>
    %mul3A_145 = arith.constant 4096 : i32
    %mul3A_146 = arith.muli %arg0, %mul3A_145 : i32
    %add3A_147 = vector.broadcast %mul3A_146 : i32 to vector<512x1xi32>
    %add3A_148 = arith.addi %broadcast_in_dim3A_144, %add3A_147 : vector<512x1xi32>
    %eq3A_149 = vector.broadcast %broadcast_in_dim3A_144 : vector<512x1xi32> to vector<512x4096xi32>
    %eq3A_150 = arith.cmpi eq, %iota3A, %eq3A_149 : vector<512x4096xi32>
    %jit3A_151 = arith.constant 0xFF800000 : f32
    %broadcast_in_dim3A_152 = vector.broadcast %jit3A_151 : f32 to vector<512x4096xf32>
    %select_n3A_153 = arith.select %eq3A_150, %broadcast_in_dim3A_152, %select_n3A_115 : vector<512x4096xi1>, vector<512x4096xf32>
    %gt3A_154 = arith.cmpf ogt, %broadcast_in_dim3A_136, %select_n3A_120 : vector<512x1xf32>
    %gt3A_155 = arith.cmpf ogt, %broadcast_in_dim3A_136, %select_n3A_123 : vector<512x1xf32>
    %gt3A_156 = arith.cmpf ogt, %broadcast_in_dim3A_136, %select_n3A_127 : vector<512x1xf32>
    %gt3A_157 = arith.cmpf ogt, %broadcast_in_dim3A_136, %select_n3A_131 : vector<512x1xf32>
    %select_n3A_158 = arith.select %gt3A_154, %broadcast_in_dim3A_136, %select_n3A_120 : vector<512x1xi1>, vector<512x1xf32>
    %select_n3A_159 = arith.select %gt3A_154, %add3A_148, %select_n3A_121 : vector<512x1xi1>, vector<512x1xi32>
    %select_n3A_160 = arith.select %gt3A_154, %select_n3A_120, %broadcast_in_dim3A_136 : vector<512x1xi1>, vector<512x1xf32>
    %select_n3A_161 = arith.select %gt3A_155, %select_n3A_160, %select_n3A_123 : vector<512x1xi1>, vector<512x1xf32>
    %select_n3A_162 = arith.select %gt3A_154, %select_n3A_121, %add3A_148 : vector<512x1xi1>, vector<512x1xi32>
    %select_n3A_163 = arith.select %gt3A_155, %select_n3A_162, %select_n3A_125 : vector<512x1xi1>, vector<512x1xi32>
    %select_n3A_164 = arith.select %gt3A_155, %select_n3A_123, %broadcast_in_dim3A_136 : vector<512x1xi1>, vector<512x1xf32>
    %select_n3A_165 = arith.select %gt3A_156, %select_n3A_164, %select_n3A_127 : vector<512x1xi1>, vector<512x1xf32>
    %select_n3A_166 = arith.select %gt3A_155, %select_n3A_125, %add3A_148 : vector<512x1xi1>, vector<512x1xi32>
    %select_n3A_167 = arith.select %gt3A_156, %select_n3A_166, %select_n3A_129 : vector<512x1xi1>, vector<512x1xi32>
    %select_n3A_168 = arith.select %gt3A_156, %select_n3A_127, %broadcast_in_dim3A_136 : vector<512x1xi1>, vector<512x1xf32>
    %select_n3A_169 = arith.select %gt3A_157, %select_n3A_168, %select_n3A_131 : vector<512x1xi1>, vector<512x1xf32>
    %select_n3A_170 = arith.select %gt3A_156, %select_n3A_129, %add3A_148 : vector<512x1xi1>, vector<512x1xi32>
    %select_n3A_171 = arith.select %gt3A_157, %select_n3A_170, %select_n3A_133 : vector<512x1xi1>, vector<512x1xi32>
    %reduce_max3A_172 = arith.constant dense<0xFF800000> : vector<512xf32>
    %reduce_max3A_173 = vector.multi_reduction <maximumf>, %select_n3A_153, %reduce_max3A_172 [1] : vector<512x4096xf32> to vector<512xf32>
    %broadcast_in_dim3A_174 = vector.shape_cast %reduce_max3A_173 : vector<512xf32> to vector<512x1xf32>
    %eq3A_175 = vector.broadcast %broadcast_in_dim3A_174 : vector<512x1xf32> to vector<512x4096xf32>
    %eq3A_176 = arith.cmpf oeq, %select_n3A_153, %eq3A_175 : vector<512x4096xf32>
    %jit3A_177 = arith.constant 4096 : i32
    %broadcast_in_dim3A_178 = vector.broadcast %jit3A_177 : i32 to vector<512x4096xi32>
    %select_n3A_179 = arith.select %eq3A_176, %iota3A, %broadcast_in_dim3A_178 : vector<512x4096xi1>, vector<512x4096xi32>
    %reduce_min3A_180 = arith.constant dense<2147483647> : vector<512xi32>
    %reduce_min3A_181 = vector.multi_reduction <minsi>, %select_n3A_179, %reduce_min3A_180 [1] : vector<512x4096xi32> to vector<512xi32>
    %broadcast_in_dim3A_182 = vector.shape_cast %reduce_min3A_181 : vector<512xi32> to vector<512x1xi32>
    %mul3A_183 = arith.constant 4096 : i32
    %mul3A_184 = arith.muli %arg0, %mul3A_183 : i32
    %add3A_185 = vector.broadcast %mul3A_184 : i32 to vector<512x1xi32>
    %add3A_186 = arith.addi %broadcast_in_dim3A_182, %add3A_185 : vector<512x1xi32>
    %gt3A_187 = arith.cmpf ogt, %broadcast_in_dim3A_174, %select_n3A_158 : vector<512x1xf32>
    %gt3A_188 = arith.cmpf ogt, %broadcast_in_dim3A_174, %select_n3A_161 : vector<512x1xf32>
    %gt3A_189 = arith.cmpf ogt, %broadcast_in_dim3A_174, %select_n3A_165 : vector<512x1xf32>
    %gt3A_190 = arith.cmpf ogt, %broadcast_in_dim3A_174, %select_n3A_169 : vector<512x1xf32>
    %select_n3A_191 = arith.select %gt3A_187, %broadcast_in_dim3A_174, %select_n3A_158 : vector<512x1xi1>, vector<512x1xf32>
    %select_n3A_192 = arith.select %gt3A_187, %add3A_186, %select_n3A_159 : vector<512x1xi1>, vector<512x1xi32>
    %select_n3A_193 = arith.select %gt3A_187, %select_n3A_158, %broadcast_in_dim3A_174 : vector<512x1xi1>, vector<512x1xf32>
    %select_n3A_194 = arith.select %gt3A_188, %select_n3A_193, %select_n3A_161 : vector<512x1xi1>, vector<512x1xf32>
    %select_n3A_195 = arith.select %gt3A_187, %select_n3A_159, %add3A_186 : vector<512x1xi1>, vector<512x1xi32>
    %select_n3A_196 = arith.select %gt3A_188, %select_n3A_195, %select_n3A_163 : vector<512x1xi1>, vector<512x1xi32>
    %select_n3A_197 = arith.select %gt3A_188, %select_n3A_161, %broadcast_in_dim3A_174 : vector<512x1xi1>, vector<512x1xf32>
    %select_n3A_198 = arith.select %gt3A_189, %select_n3A_197, %select_n3A_165 : vector<512x1xi1>, vector<512x1xf32>
    %select_n3A_199 = arith.select %gt3A_188, %select_n3A_163, %add3A_186 : vector<512x1xi1>, vector<512x1xi32>
    %select_n3A_200 = arith.select %gt3A_189, %select_n3A_199, %select_n3A_167 : vector<512x1xi1>, vector<512x1xi32>
    %select_n3A_201 = arith.select %gt3A_189, %select_n3A_165, %broadcast_in_dim3A_174 : vector<512x1xi1>, vector<512x1xf32>
    %select_n3A_202 = arith.select %gt3A_190, %select_n3A_201, %select_n3A_169 : vector<512x1xi1>, vector<512x1xf32>
    %select_n3A_203 = arith.select %gt3A_189, %select_n3A_167, %add3A_186 : vector<512x1xi1>, vector<512x1xi32>
    %select_n3A_204 = arith.select %gt3A_190, %select_n3A_203, %select_n3A_171 : vector<512x1xi1>, vector<512x1xi32>
    %swap3A = arith.constant 0 : index
    %swap3A_205 = arith.constant 0 : index
    %swap3A_206 = vector.load %arg8[%swap3A, %swap3A_205] : memref<512x1xf32, #tpu.memory_space<vmem>>, vector<512x1xf32>
    tpu.vector_store %arg8[%swap3A, %swap3A_205], %select_n3A_191 {strides = array<i32>} : memref<512x1xf32, #tpu.memory_space<vmem>>, vector<512x1xf32>,
    %swap3A_207 = arith.constant 0 : index
    %swap3A_208 = arith.constant 0 : index
    %swap3A_209 = vector.load %arg9[%swap3A_207, %swap3A_208] : memref<512x1xf32, #tpu.memory_space<vmem>>, vector<512x1xf32>
    tpu.vector_store %arg9[%swap3A_207, %swap3A_208], %select_n3A_194 {strides = array<i32>} : memref<512x1xf32, #tpu.memory_space<vmem>>, vector<512x1xf32>,
    %swap3A_210 = arith.constant 0 : index
    %swap3A_211 = arith.constant 0 : index
    %swap3A_212 = vector.load %arg10[%swap3A_210, %swap3A_211] : memref<512x1xf32, #tpu.memory_space<vmem>>, vector<512x1xf32>
    tpu.vector_store %arg10[%swap3A_210, %swap3A_211], %select_n3A_198 {strides = array<i32>} : memref<512x1xf32, #tpu.memory_space<vmem>>, vector<512x1xf32>,
    %swap3A_213 = arith.constant 0 : index
    %swap3A_214 = arith.constant 0 : index
    %swap3A_215 = vector.load %arg11[%swap3A_213, %swap3A_214] : memref<512x1xf32, #tpu.memory_space<vmem>>, vector<512x1xf32>
    tpu.vector_store %arg11[%swap3A_213, %swap3A_214], %select_n3A_202 {strides = array<i32>} : memref<512x1xf32, #tpu.memory_space<vmem>>, vector<512x1xf32>,
    %swap3A_216 = arith.constant 0 : index
    %swap3A_217 = arith.constant 0 : index
    %swap3A_218 = vector.load %arg12[%swap3A_216, %swap3A_217] : memref<512x1xi32, #tpu.memory_space<vmem>>, vector<512x1xi32>
    tpu.vector_store %arg12[%swap3A_216, %swap3A_217], %select_n3A_192 {strides = array<i32>} : memref<512x1xi32, #tpu.memory_space<vmem>>, vector<512x1xi32>,
    %swap3A_219 = arith.constant 0 : index
    %swap3A_220 = arith.constant 0 : index
    %swap3A_221 = vector.load %arg13[%swap3A_219, %swap3A_220] : memref<512x1xi32, #tpu.memory_space<vmem>>, vector<512x1xi32>
    tpu.vector_store %arg13[%swap3A_219, %swap3A_220], %select_n3A_196 {strides = array<i32>} : memref<512x1xi32, #tpu.memory_space<vmem>>, vector<512x1xi32>,
    %swap3A_222 = arith.constant 0 : index
    %swap3A_223 = arith.constant 0 : index
    %swap3A_224 = vector.load %arg14[%swap3A_222, %swap3A_223] : memref<512x1xi32, #tpu.memory_space<vmem>>, vector<512x1xi32>
    tpu.vector_store %arg14[%swap3A_222, %swap3A_223], %select_n3A_200 {strides = array<i32>} : memref<512x1xi32, #tpu.memory_space<vmem>>, vector<512x1xi32>,
    %swap3A_225 = arith.constant 0 : index
    %swap3A_226 = arith.constant 0 : index
    %swap3A_227 = vector.load %arg15[%swap3A_225, %swap3A_226] : memref<512x1xi32, #tpu.memory_space<vmem>>, vector<512x1xi32>
    tpu.vector_store %arg15[%swap3A_225, %swap3A_226], %select_n3A_204 {strides = array<i32>} : memref<512x1xi32, #tpu.memory_space<vmem>>, vector<512x1xi32>,
    %eq3A_228 = arith.constant 24 : i32
    %eq3A_229 = arith.cmpi eq, %arg0, %eq3A_228 : i32
    %convert_element_type3A_230 = arith.extui %eq3A_229 : i1 to i32
    %cond3A_231 = arith.constant 0 : i32
    %cond3A_232 = arith.cmpi ne, %convert_element_type3A_230, %cond3A_231 : i32
    scf.if %cond3A_232 {
      %concatenate3A = tpu.concatenate %select_n3A_191, %select_n3A_194, %select_n3A_198, %select_n3A_202 in 1 : vector<512x1xf32>, vector<512x1xf32>, vector<512x1xf32>, vector<512x1xf32> -> vector<512x4xf32>
      %swap3A_233 = arith.constant 0 : index
      %swap3A_234 = arith.constant 0 : index
      %swap3A_235 = vector.load %arg5[%swap3A_233, %swap3A_234] : memref<512x4xf32, #tpu.memory_space<vmem>>, vector<512x4xf32>
      tpu.vector_store %arg5[%swap3A_233, %swap3A_234], %concatenate3A {strides = array<i32>} : memref<512x4xf32, #tpu.memory_space<vmem>>, vector<512x4xf32>,
      %concatenate3A_236 = tpu.concatenate %select_n3A_192, %select_n3A_196, %select_n3A_200, %select_n3A_204 in 1 : vector<512x1xi32>, vector<512x1xi32>, vector<512x1xi32>, vector<512x1xi32> -> vector<512x4xi32>
      %swap3A_237 = arith.constant 0 : index
      %swap3A_238 = arith.constant 0 : index
      %swap3A_239 = vector.load %arg6[%swap3A_237, %swap3A_238] : memref<512x4xi32, #tpu.memory_space<vmem>>, vector<512x4xi32>
      tpu.vector_store %arg6[%swap3A_237, %swap3A_238], %concatenate3A_236 {strides = array<i32>} : memref<512x4xi32, #tpu.memory_space<vmem>>, vector<512x4xi32>,
    } else {
    }
    return
  }
  func.func @transform_0(%arg0: i32) -> (i32, i32) {
    %c0_i32 = arith.constant 0 : i32
    %c0_i32_0 = arith.constant 0 : i32
    %c0_i32_1 = arith.constant 0 : i32
    return %c0_i32, %c0_i32_0 : i32, i32
  }
  func.func @transform_1(%arg0: i32) -> (i32, i32) {
    %c0_i32 = arith.constant 0 : i32
    %c0_i32_0 = arith.constant 0 : i32
    return %arg0, %c0_i32 : i32, i32
  }
  func.func @transform_2(%arg0: i32) -> (i32, i32) {
    %c0_i32 = arith.constant 0 : i32
    %c0_i32_0 = arith.constant 0 : i32
    return %c0_i32, %arg0 : i32, i32
  }
  func.func @transform_3(%arg0: i32) -> (i32, i32) {
    %c0_i32 = arith.constant 0 : i32
    %c0_i32_0 = arith.constant 0 : i32
    %c0_i32_1 = arith.constant 0 : i32
    return %c0_i32, %c0_i32_0 : i32, i32
  }
  func.func @transform_4(%arg0: i32) -> (i32, i32) {
    %c0_i32 = arith.constant 0 : i32
    %c0_i32_0 = arith.constant 0 : i32
    %c0_i32_1 = arith.constant 0 : i32
    return %c0_i32, %c0_i32_0 : i32, i32
  }
  func.func @transform_5(%arg0: i32) -> (i32, i32) {
    %c0_i32 = arith.constant 0 : i32
    %c0_i32_0 = arith.constant 0 : i32
    %c0_i32_1 = arith.constant 0 : i32
    return %c0_i32, %c0_i32_0 : i32, i32
  }
}

</mosaic_0001>

<sc_bundles>
// kernel: kernel.5.cloned.1.call-start
scs
__scs_entry_jumppad:
0x0: {  	(pc) =	sbr.rel $0x88, $3  }
0x1: {  	(tag) =	ssettag $0x0;
	lr =	simm.s32 $0x1  }
0x2: {  	[smem:$0x3F9B] =	sst lr;
	_ =	strace $0xD0000000  }
0x3: {  	_ = 	snop  }
0x4: {  	_ = 	snop  }
0x5: {  	_ = 	snop  }
0x6: {  	_ = 	snop  }
0x7: {  	_ = 	snop  }
__scs_overlays_trampoline_lowered:
0x8: {  	[smem:$0x3FAA] =	sst s0  }
0x9: {  	[smem:$0x3FAB] =	sst s1  }
0xa: {  	[smem:$0x3FAC] =	sst s2  }
0xb: {  	[smem:$0x3FAD] =	sst s3  }
0xc: {  	[smem:$0x3FAE] =	sst s4  }
0xd: {  	[smem:$0x3FAF] =	sst s5  }
0xe: {  	[smem:$0x3FB0] =	sst s6  }
0xf: {  	[smem:$0x3FB1] =	sst s7  }
0x10: {  	[smem:$0x3FB2] =	sst s8  }
0x11: {  	[smem:$0x3FB3] =	sst s9;
	s0 =	simm.s32 @!p0 $0x0  }
0x12: {  	s1 =	sld [smem:$0x3F99];
	s0 =	simm.s32 @p0 $0x1  }
0x13: {  	[smem:$0x3FB4] =	sst s0;
	s0 =	simm.s32 @!p1 $0x0  }
0x14: {  	s2 =	sld [smem:$0x3F98];
	s0 =	simm.s32 @p1 $0x1  }
0x15: {  	[smem:$0x3FB5] =	sst s0;
	s0 =	simm.s32 @!p2 $0x0  }
0x16: {  	s3 =	sld [smem:$0x3FDB];
	s0 =	simm.s32 @p2 $0x1  }
0x17: {  	s4 =	simm.s32 $0x1BF5;
	[smem:$0x3FB7] =	sst s0  }
0x18: {  	s0 =	sld [smem:$0x3F9A];
	_ =	swait.ge [sflag:s4], $0x0  }
0x19: {  	s7 =	sld [smem:$0x3F9B]  }
0x1a: {  	s8 =	sadd.s32 $0xFFFFE003, lr  }
0x1b: {  	s9 =	sadd.s32 $0xFFFFFEF7, lr;
	s5 =	simm.s32 $0xFFFFFFFF;
	p2 =	slt.u32 s8, $0xFFFFF086  }
0x1c: {  	p1 =	slt.u32 s9, $0xF7A;
	s5 =	simm.s32 @!p2 $0x0  }
0x1d: {  	s5 =	simm.s32 @p1 $0x1;
	p0 =	seq.s32 s7, s2  }
0x1e: {  	s7 =	smul.u32 @!p0 $0xF7A, s2;
	p2 =	seq.s32 @!p0 s5, $0x0  }
0x1f: {  	s9 =	smul.u32 $0xF7A, s1;
	s8 =	simm.s32 @!p0 $0x1BF5;
	p2 =	por !p2, p0  }
0x20: {  	[sflag:s8] =	ssyncset.s32 @!p0 $0xFFFFF086;
	s6 =	sadd.s32 @!p0 s3, s7;
	s7 =	simm.s32 @!p0 $0x108  }
0x21: {  	s3 =	sadd.s32 s3, s9;
	s6 =	sadd.s32 @!p0 $0x88, s6;
	s7 =	simm.s32 @p2 $0x1082  }
0x22: {  	[simem:s7], [sflag:s8] =	dma.local @!p0 [hbm:s6], $0xF7A  }
0x23: {  	s9 =	sor.u32 $0xD0000000, s2;
	s6 =	simm.s32 $0x108;
	_ =	swait.ge @!p0 [sflag:s8], $0x0  }
0x24: {  	s3 =	sadd.s32 $0x88, s3;
	s6 =	simm.s32 @!p1 $0x1082;
	[sflag:s4] =	ssyncset.s32 $0xFFFFF086  }
0x25: {  	[simem:s6], [sflag:s4] =	dma.local [hbm:s3], $0xF7A  }
0x26: {  	[smem:$0x3F9B] =	sst s1;
	(tag) =	ssettag s2;
	_ =	strace s9  }
0x27: {  	s1 =	sld [smem:$0x3FAB]  }
0x28: {  	s2 =	sld [smem:$0x3FAC]  }
0x29: {  	s4 =	sld [smem:$0x3FAE]  }
0x2a: {  	p0 =	seq.s32 s5, $0x0;
	s5 =	sld [smem:$0x3FAF]  }
0x2b: {  	s6 =	sld [smem:$0x3FB0]  }
0x2c: {  	s7 =	sld [smem:$0x3FB1]  }
0x2d: {  	s3 =	simm.s32 $0x108;
	s8 =	sld [smem:$0x3FB2]  }
0x2e: {  	s3 =	simm.s32 @!p0 $0x1082;
	s9 =	sld [smem:$0x3FB3]  }
0x2f: {  	lr =	sadd.s32 s0, s3;
	s0 =	sld [smem:$0x3FAA]  }
0x30: {  	s3 =	sld [smem:$0x3FAD]  }
0x31: {  	[smem:$0x3FB6] =	sst s10  }
0x32: {  	s10 =	sld [smem:$0x3FB4];
	_ =	sdelay $0x3  }
0x33: {  	p0 =	seq.s32 s10, $0x1;
	s10 =	sld [smem:$0x3FB6];
	_ =	sdelay $0x3  }
0x34: {  	[smem:$0x3FB6] =	sst s10  }
0x35: {  	s10 =	sld [smem:$0x3FB5];
	_ =	sdelay $0x3  }
0x36: {  	p1 =	seq.s32 s10, $0x1;
	s10 =	sld [smem:$0x3FB6];
	_ =	sdelay $0x3  }
0x37: {  	[smem:$0x3FB6] =	sst s10  }
0x38: {  	s10 =	sld [smem:$0x3FB7]  }
0x39: {  	_ = 	snop;
	(pc) =	sbr.ind lr, $3  }
0x3a: {  	_ = 	snop  }
0x3b: {  	_ = 	snop  }
0x3c: {  	p2 =	seq.s32 s10, $0x1;
	s10 =	sld [smem:$0x3FB6]  }
0x3d: {  	_ =	shalt  }
0x3e: {  	_ =	shalt  }
0x3f: {  	_ =	shalt  }
0x40: {  	_ =	shalt  }
0x41: {  	_ =	shalt  }
0x42: {  	_ =	shalt  }
0x43: {  	_ =	shalt  }
0x44: {  	_ =	shalt  }
0x45: {  	_ =	shalt  }
0x46: {  	_ =	shalt  }
0x47: {  	_ =	shalt  }
0x48: {  	_ =	shalt  }
0x49: {  	_ =	shalt  }
0x4a: {  	_ =	shalt  }
0x4b: {  	_ =	shalt  }
0x4c: {  	_ =	shalt  }
0x4d: {  	_ =	shalt  }
0x4e: {  	_ =	shalt  }
0x4f: {  	_ =	shalt  }
0x50: {  	_ =	shalt  }
0x51: {  	_ =	shalt  }
0x52: {  	_ =	shalt  }
0x53: {  	_ =	shalt  }
0x54: {  	_ =	shalt  }
0x55: {  	_ =	shalt  }
0x56: {  	_ =	shalt  }
0x57: {  	_ =	shalt  }
0x58: {  	_ =	shalt  }
0x59: {  	_ =	shalt  }
0x5a: {  	_ =	shalt  }
0x5b: {  	_ =	shalt  }
0x5c: {  	_ =	shalt  }
0x5d: {  	_ =	shalt  }
0x5e: {  	_ =	shalt  }
0x5f: {  	_ =	shalt  }
0x60: {  	_ =	shalt  }
0x61: {  	_ =	shalt  }
0x62: {  	_ =	shalt  }
0x63: {  	_ =	shalt  }
0x64: {  	_ =	shalt  }
0x65: {  	_ =	shalt  }
0x66: {  	_ =	shalt  }
0x67: {  	_ =	shalt  }
0x68: {  	_ =	shalt  }
0x69: {  	_ =	shalt  }
0x6a: {  	_ =	shalt  }
0x6b: {  	_ =	shalt  }
0x6c: {  	_ =	shalt  }
0x6d: {  	_ =	shalt  }
0x6e: {  	_ =	shalt  }
0x6f: {  	_ =	shalt  }
0x70: {  	_ =	shalt  }
0x71: {  	_ =	shalt  }
0x72: {  	_ =	shalt  }
0x73: {  	_ =	shalt  }
0x74: {  	_ =	shalt  }
0x75: {  	_ =	shalt  }
0x76: {  	_ =	shalt  }
0x77: {  	_ =	shalt  }
0x78: {  	_ =	shalt  }
0x79: {  	_ =	shalt  }
0x7a: {  	_ =	shalt  }
0x7b: {  	_ =	shalt  }
0x7c: {  	_ =	shalt  }
0x7d: {  	_ =	shalt  }
0x7e: {  	_ =	shalt  }
0x7f: {  	_ =	shalt  }
0x80: {  	_ =	shalt  }
0x81: {  	_ =	shalt  }
0x82: {  	_ =	shalt  }
0x83: {  	_ =	shalt  }
0x84: {  	_ =	shalt  }
0x85: {  	_ =	shalt  }
0x86: {  	_ =	shalt  }
0x87: {  	_ =	shalt  }
.Lfunc_end0:
.L_simem_size_0:
called_computation_lowered:
.L_overlay_start_0:
0x88: {  	s2 =	sld [smem:$0x3FD9]  }
0x89: {  	s3 =	sld [smem:$0x3FFE];
	_ =	sdelay $0x1  }
0x8a: {  	s1 =	srdreg.scid  }
0x8b: {  	s0 =	sand.u32 $0x1, s1  }
0x8c: {  	s14 =	sshll.u32 s0, $0xA;
	s2 =	sadd.s32 s3, s2  }
0x8d: {  	s2 =	sadd.s32 s2, s14  }
0x8e: {  	[smem:$0x3FC2] =	sst s2  }
0x8f: {  	_ = 	snop  }
0x90: {  	s2 =	sld [smem:$0x3FD0];
	_ =	sdelay $0x2  }
0x91: {  	s4 =	simm.s32 $0xA;
	s5 =	simm.s32 $0x10;
	s15 =	sld [smem:$0x3FC8]  }
0x92: {  	[smem:s5], [sflag:s4] =	dma.local [hbm:s2], $0x1  }
0x93: {  	_ =	swait.eq [sflag:s4], $0x1  }
0x94: {  	[sflag:s4] =	ssyncset.done $0x0  }
0x95: {  	[sflag:s4] =	ssyncadd.s32 $0xFFFFFFFF  }
0x96: {  	s16 =	sld [smem:$0x12];
	(tm) =	ssettm $0x1  }
0x97: {  	s17 =	sld [smem:$0x3FFB];
	_ =	sdelay $0x3  }
0x98: {  	_ =	strace s17  }
0x99: {  	s4 =	sld [smem:$0x3FFC];
	_ =	sdelay $0x3  }
0x9a: {  	_ =	strace s4  }
0x9b: {  	s4 =	sld [smem:$0x3FFD];
	_ =	sdelay $0x3  }
0x9c: {  	_ =	strace s4  }
0x9d: {  	_ =	strace $0x8FFFFFFF  }
0x9e: {  	s18 =	sld [smem:$0x3FDB];
	_ =	sdelay $0x1  }
0x9f: {  	s19 =	simm.s32 $_scs_section_size  }
0xa0: {  	s6 =	simm.s32 $_size__tile_overlayer_lowered;
	s7 =	simm.s32 $_tile_overlayer_lowered  }
0xa1: {  	s22 =	simm.s32 $0x1BFF;
	s21 =	sshll.u32 s7, $0x1;
	s4 =	sadd.s32 s19, s18  }
0xa2: {  	s8 =	simm.s32 $0x0;
	s20 =	sshll.u32 s6, $0x1;
	s6 =	sadd.s32 s21, s4  }
0xa3: {  	[timem:s8], [sflag:s22] =	dma.local [hbm:s6], s20  }
0xa4: {  	_ =	swait.ge [sflag:s22], s20  }
0xa5: {  	s5 =	ssub.s32 $0x0, s20;
	[sflag:s22] =	ssyncset.done $0x0  }
0xa6: {  	[sflag:s22] =	ssyncadd.s32 s5;
	_ =	sdelay $0x1  }
0xa7: {  	s23 =	simm.s32 $0x1B8B  }
0xa8: {  	_ =	swait.ge [sflag:s23], $0x1  }
0xa9: {  	[sflag:s23] =	ssyncset.done $0x0  }
0xaa: {  	s25 =	simm.s32 $0x1B8E;
	s24 =	sld [smem:$0x3FFE];
	[sflag:s23] =	ssyncadd.s32 $0xFFFFFFFF  }
0xab: {  	s26 =	simm.s32 $execute0_lowered;
	[smem:$0x3FD2] =	sst s25  }
0xac: {  	s6 =	sshll.u32 s26, $0x1;
	_ =	strace $0x80000046;
	[dreg:$0x1] =	wrdreg $0xFFFFFFFF  }
0xad: {  	s28 =	simm.s32 $_size_execute0_lowered;
	s4 =	sadd.s32 s4, s6;
	[dreg:$0x0] =	wrdreg $0x0  }
0xae: {  	s6 =	sshll.u32 s28, $0x1;
	[dreg:$0x2] =	wrdreg s4  }
0xaf: {  	[dreg:$0x3] =	wrdreg s6  }
0xb0: {  	[dreg:$0x4] =	wrdreg $0xC0  }
0xb1: {  	_ =	task [dreg:s8], $0x5FFFF  }
0xb2: {  	[dreg:$0x1] =	wrdreg $0xFFFFFFFF  }
0xb3: {  	[dreg:$0x0] =	wrdreg $0x60  }
0xb4: {  	[dreg:$0x2] =	wrdreg s15  }
0xb5: {  	[dreg:$0x3] =	wrdreg s24  }
0xb6: {  	[dreg:$0x4] =	wrdreg s16  }
0xb7: {  	[dreg:$0x5] =	wrdreg $0x9  }
0xb8: {  	_ =	task.clear_ibuf [dreg:s8], $0x6FFFF;
	_ =	strace $0x90000046  }
0xb9: {  	s29 =	simm.s32 $0x9;
	_ =	strace $0x80000048  }
0xba: {  	_ =	swait.ge [sflag:s29], $0x1  }
0xbb: {  	[sflag:s29] =	ssyncadd.s32 $0xFFFFFFFF  }
0xbc: {  	_ =	strace $0x90000048  }
0xbd: {  	_ =	sfence  }
0xbe: {  	s30 =	sld [smem:$0x0];
	_ =	sdelay $0x2  }
0xbf: {  	s31 =	sshll.u32 s1, $0xD;
	s1 =	sshrl.u32 s1, $0x2  }
0xc0: {  	s3 =	sand.u32 $0x4000, s31;
	s1 =	sadd.s32 s1, s30  }
0xc1: {  	s0 =	sor.u32 s3, s0;
	s1 =	sshll.u32 s1, $0x11  }
0xc2: {  	s0 =	sor.u32 s1, s0  }
0xc3: {  	s0 =	sadd.s32 $0x8F2B, s0  }
0xc4: {  	[sflag:s0] =	ssyncadd.remote.s32 $0x1  }
0xc5: {  	_ =	sfence.sel $0xFFFF  }
0xc6: {  	[dreg:$0x0] =	wrdreg $0xFFFFFFFF;
	(pc) =	sbr.abs _section_cstart, $3  }
0xc7: {  	[dreg:$0x1] =	wrdreg $0xFFFFFFFF  }
0xc8: {  	_ =	task.clear_ibuf [dreg:s8], $0x2FFFF;
	_ =	strace $0x9FFFFFFF  }
0xc9: {  	(tm) =	ssettm $0x7FFFFFFF  }
tec
execute0_lowered:
.L_overlay_start_1:
0x0: {  	(tag) =	ssettag $0x1  }
0x1: {  	s1 =	rddreg [dreg:$0x0]  }
0x2: {  	s2 =	srdreg.scid;
	s4 =	rddreg [dreg:$0x1]  }
0x3: {  	s0 =	stileid.u32;
	s6 =	rddreg [dreg:$0x2]  }
0x4: {  	s3 =	simm.s32 $0x0;
	s9 =	simm.s32 $0x80;
	s10 =	simm.s32 $0x880  }
0x5: {  	s11 =	simm.s32 $0x1080;
	s12 =	simm.s32 $0x1880;
	s13 =	simm.s32 $0x2080  }
0x6: {  	s14 =	simm.s32 $0x2880;
	s15 =	simm.s32 $0x3080;
	s16 =	simm.s32 $0x3880  }
0x7: {  	s17 =	simm.s32 $0x4080;
	s18 =	simm.s32 $0x4880;
	s19 =	simm.s32 $0x5080  }
0x8: {  	s20 =	simm.s32 $0x5880;
	s21 =	simm.s32 $0x6080;
	s22 =	simm.s32 $0x6880  }
0x9: {  	s23 =	simm.s32 $0x7080;
	s24 =	simm.s32 $0x7880;
	s5 =	sand.u32 $0x1, s2  }
0xa: {  	s7 =	sshll.u32 s0, $0x7;
	s2 =	rddreg [dreg:$0x3];
	s8 =	sshll.u32 s5, $0x6  }
0xb: {  	s25 =	simm.s32 $0x1;
	[smem:$0x7FF] =	sst s3;
	s7 =	sor.u32 s8, s7  }
0xc: {  	s5 =	ssub.s32 $0x2, s5;
	_ =	strace $0x80000047;
	s8 =	sshrl.u32 s7, $0x3  }
0xd: {  	v2 =	vlaneseq.u32;
	s31 =	sshrl.u32 s5, $0x1;
	s7 =	sshll.u32 s7, $0x6;
	s4 =	sadd.s32 s8, s4  }
0xe: {  	vm0 =	vmmov $0xffff;
	v1 =	vshrl.u32 v2, $0x3;
	s8 =	ssub.s32 s5, s31;
	s5 =	sadd.s32 $0x100, s1;
	s6 =	sadd.s32 s6, s7  }
0xf: {  	v0 =	vand.u32 $0x7, v2;
	v2 =	vor.u32 $0x8, v2;
	v1 =	vmul.u32 $0x8, v1;
	s4 =	sadd.s32 $0x5200, s4;
	s7 =	smax.u32 s8, $0x1;
	s8 =	simm.s32 $0x2  }
.LBB2_1:
0x10: {  	[tilespmem:s3], [sflag:$0x2] =	stream.linear.gather [hbm4b:s4+s3], $0x40, $0x38;
	[tilespmem:$0x8080] =	vst v63  }
0x11: {  	_ =	swait.ge [sflag:s8], $0x40  }
0x12: {  	[sflag:s8] =	ssyncset.done $0x0  }
0x13: {  	[sflag:s8] =	ssyncadd.s32 $0xFFFFFFC0  }
0x14: {  	v3 =	vld [tilespmem:$0x0];
	_ =	sdelay $0x4  }
0x15: {  	v4 =	vshll.u32 v3, $0x2  }
0x16: {  	v3 =	vand.u32 $0x7, v3;
	v4 =	vand.u32 $0xFFFFFFE0, v4  }
0x17: {  	v3 =	vor.u32 v3, v4  }
0x18: {  	v4 =	vperm.xlane v3, v0;
	_ =	sdelay $0x1  }
0x19: {  	v4 =	vadd.s32 v1, v4;
	_ =	sdelay $0x1  }
0x1a: {  	v3 =	vperm.xlane v3, v2;
	_ =	sdelay $0x1  }
0x1b: {  	v3 =	vadd.s32 v1, v3  }
0x1c: {  	[tilespmem:s9], [sflag:$0x1] =	stream.indirect_vreg.gather [hbm4b:s1+s3], $0x80, v4, vm0, $0xb8;
	[tilespmem:$0x8080] =	vst v63  }
0x1d: {  	_ = 	snop  }
0x1e: {  	[tilespmem:s10], [sflag:$0x1] =	stream.indirect_vreg.gather [hbm4b:s5+s3], $0x80, v4, vm0, $0xb8;
	[tilespmem:$0x8080] =	vst v63  }
0x1f: {  	_ = 	snop  }
0x20: {  	[tilespmem:s11], [sflag:$0x1] =	stream.indirect_vreg.gather [hbm4b:s1+s3], $0x80, v3, vm0, $0xb8;
	[tilespmem:$0x8080] =	vst v63  }
0x21: {  	_ = 	snop  }
0x22: {  	[tilespmem:s12], [sflag:$0x1] =	stream.indirect_vreg.gather [hbm4b:s5+s3], $0x80, v3, vm0, $0xb8;
	[tilespmem:$0x8080] =	vst v63  }
0x23: {  	v3 =	vld [tilespmem:$0x10];
	_ =	sdelay $0x4  }
0x24: {  	v61 =	vshll.u32 v3, $0x2  }
0x25: {  	v3 =	vand.u32 $0x7, v3;
	v4 =	vand.u32 $0xFFFFFFE0, v61  }
0x26: {  	v3 =	vor.u32 v3, v4  }
0x27: {  	v4 =	vperm.xlane v3, v0;
	_ =	sdelay $0x1  }
0x28: {  	v4 =	vadd.s32 v1, v4;
	_ =	sdelay $0x1  }
0x29: {  	v3 =	vperm.xlane v3, v2;
	_ =	sdelay $0x1  }
0x2a: {  	v3 =	vadd.s32 v1, v3  }
0x2b: {  	[tilespmem:s13], [sflag:$0x1] =	stream.indirect_vreg.gather [hbm4b:s1+s3], $0x80, v4, vm0, $0xb8;
	[tilespmem:$0x8080] =	vst v63  }
0x2c: {  	_ = 	snop  }
0x2d: {  	[tilespmem:s14], [sflag:$0x1] =	stream.indirect_vreg.gather [hbm4b:s5+s3], $0x80, v4, vm0, $0xb8;
	[tilespmem:$0x8080] =	vst v63  }
0x2e: {  	_ = 	snop  }
0x2f: {  	[tilespmem:s15], [sflag:$0x1] =	stream.indirect_vreg.gather [hbm4b:s1+s3], $0x80, v3, vm0, $0xb8;
	[tilespmem:$0x8080] =	vst v63  }
0x30: {  	_ = 	snop  }
0x31: {  	[tilespmem:s16], [sflag:$0x1] =	stream.indirect_vreg.gather [hbm4b:s5+s3], $0x80, v3, vm0, $0xb8;
	[tilespmem:$0x8080] =	vst v63  }
0x32: {  	v3 =	vld [tilespmem:$0x20];
	_ =	sdelay $0x4  }
0x33: {  	v62 =	vshll.u32 v3, $0x2  }
0x34: {  	v3 =	vand.u32 $0x7, v3;
	v4 =	vand.u32 $0xFFFFFFE0, v62  }
0x35: {  	v3 =	vor.u32 v3, v4  }
0x36: {  	v4 =	vperm.xlane v3, v0;
	_ =	sdelay $0x1  }
0x37: {  	v4 =	vadd.s32 v1, v4;
	_ =	sdelay $0x1  }
0x38: {  	v3 =	vperm.xlane v3, v2;
	_ =	sdelay $0x1  }
0x39: {  	v3 =	vadd.s32 v1, v3  }
0x3a: {  	[tilespmem:s17], [sflag:$0x1] =	stream.indirect_vreg.gather [hbm4b:s1+s3], $0x80, v4, vm0, $0xb8;
	[tilespmem:$0x8080] =	vst v63  }
0x3b: {  	_ = 	snop  }
0x3c: {  	[tilespmem:s18], [sflag:$0x1] =	stream.indirect_vreg.gather [hbm4b:s5+s3], $0x80, v4, vm0, $0xb8;
	[tilespmem:$0x8080] =	vst v63  }
0x3d: {  	_ = 	snop  }
0x3e: {  	[tilespmem:s19], [sflag:$0x1] =	stream.indirect_vreg.gather [hbm4b:s1+s3], $0x80, v3, vm0, $0xb8;
	[tilespmem:$0x8080] =	vst v63  }
0x3f: {  	_ = 	snop  }
0x40: {  	[tilespmem:s20], [sflag:$0x1] =	stream.indirect_vreg.gather [hbm4b:s5+s3], $0x80, v3, vm0, $0xb8;
	[tilespmem:$0x8080] =	vst v63  }
0x41: {  	v3 =	vld [tilespmem:$0x30];
	_ =	sdelay $0x4  }
0x42: {  	v63 =	vshll.u32 v3, $0x2  }
0x43: {  	v3 =	vand.u32 $0x7, v3;
	v4 =	vand.u32 $0xFFFFFFE0, v63  }
0x44: {  	v3 =	vor.u32 v3, v4  }
0x45: {  	v4 =	vperm.xlane v3, v0;
	_ =	sdelay $0x1  }
0x46: {  	v4 =	vadd.s32 v1, v4;
	_ =	sdelay $0x1  }
0x47: {  	v3 =	vperm.xlane v3, v2;
	_ =	sdelay $0x1  }
0x48: {  	v3 =	vadd.s32 v1, v3  }
0x49: {  	[tilespmem:s21], [sflag:$0x1] =	stream.indirect_vreg.gather [hbm4b:s1+s3], $0x80, v4, vm0, $0xb8;
	[tilespmem:$0x8080] =	vst v63  }
0x4a: {  	_ = 	snop  }
0x4b: {  	[tilespmem:s22], [sflag:$0x1] =	stream.indirect_vreg.gather [hbm4b:s5+s3], $0x80, v4, vm0, $0xb8;
	[tilespmem:$0x8080] =	vst v63  }
0x4c: {  	_ = 	snop  }
0x4d: {  	[tilespmem:s23], [sflag:$0x1] =	stream.indirect_vreg.gather [hbm4b:s1+s3], $0x80, v3, vm0, $0xb8;
	[tilespmem:$0x8080] =	vst v63  }
0x4e: {  	_ = 	snop  }
0x4f: {  	[tilespmem:s24], [sflag:$0x1] =	stream.indirect_vreg.gather [hbm4b:s5+s3], $0x80, v3, vm0, $0xb8;
	[tilespmem:$0x8080] =	vst v63  }
0x50: {  	_ =	swait.ge [sflag:s25], $0x8000  }
0x51: {  	p0 =	sne.s32 s7, $0x1;
	[sflag:s25] =	ssyncset.done $0x0  }
.Ltmp0:
0x52: {  	[sflag:s25] =	ssyncadd.s32 $0xFFFF8000;
	(pc) =	sbr.rel @p0 .LBB2_1-.Ltmp0, $4  }
0x53: {  	[hbm4b:s6+s3] =	stream.linear.scatter [tilespmem:s9], [sflag:$0x2], $0x8000, $0x38;
	[tilespmem:$0x8080] =	vst v63  }
0x54: {  	_ =	swait.ge [sflag:s8], $0x8000  }
0x55: {  	[sflag:s8] =	ssyncset.done $0x0  }
0x56: {  	s7 =	sadd.s32 $0xFFFFFFFF, s7;
	[sflag:s8] =	ssyncadd.s32 $0xFFFF8000  }
0x57: {  	_ =	sfence.sel $0x180000  }
0x58: {  	[bflag:$0x0] =	sbarrier.arrive $0xFFFF  }
0x59: {  	p0 =	sne.s32 s0, $0x0;
	_ =	strace $0x90000047  }
0x5a: {  	s0 =	sadd.s32 @!p0 $0x100000, s2;
	[bflag:$0x2] =	sbarrier.arrive $0xFFFF  }
0x5b: {  	[sflag:s0] =	ssyncadd.tile.s32 @!p0 $0x1;
	_ =	shalt  }
.Lfunc_end2:
_tile_overlayer_lowered:
.L_overlay_start_2:
0x5c: {  	(tag) =	ssettag $0x2  }
0x5d: {  	s0 =	rddreg [dreg:$0x0];
	s2 =	stileid.u32  }
0x5e: {  	s1 =	rddreg [dreg:$0x1];
	p0 =	sne.s32 s2, $0x0  }
0x5f: {  	s3 =	rddreg [dreg:$0x2];
	[bflag:$0x3] =	sbarrier.arrive $0xFFFF;
	s2 =	simm.s32 @!p0 $0x1C02  }
0x60: {  	[timem:s3], [sflag:s2] =	dma.local @!p0 [hbm:s0], s1  }
0x61: {  	s0 =	simm.s32 @!p0 $0x2  }
0x62: {  	_ =	swait.ge @!p0 [sflag:s0], s1  }
0x63: {  	s1 =	ssub.s32 @!p0 $0x0, s1;
	[sflag:s0] =	ssyncset.done @!p0 $0x0  }
0x64: {  	[sflag:s0] =	ssyncadd.s32 @!p0 s1  }
0x65: {  	[bflag:$0x3] =	sbarrier.arrive $0xFFFF  }
0x66: {  	_ =	shalt  }

</sc_bundles>
